<compile_context>
chip_gen: v7x
topology: tpu7x:2x2x1
jax: 0.10.2.dev20260603
libtpu: 0.0.44.dev20260713+nightly
codegen_flags: <defaults>
</compile_context>

<pallas_src>
import functools

import jax
import jax.numpy as jnp
from jax import lax
from jax.experimental import pallas as pl
from jax.experimental.pallas import tpu as pltpu
from jax.experimental.pallas import tpu_sc as plsc

_NC = 2
_NS = 16
_NW = _NC * _NS


def _sc_gather_body(bpw, users_hbm, items_hbm, embu_hbm, embi_hbm, th_hbm,
                    ph_hbm, urows_out, irows_out, th_out, ph_out,
                    uidx_v, iidx_v, urows_v, irows_v, th_v, ph_v, sem, gsem):
    wid = lax.axis_index("s") * _NC + lax.axis_index("c")
    base = wid * bpw
    pltpu.sync_copy(users_hbm.at[pl.ds(base, bpw)], uidx_v)
    pltpu.sync_copy(items_hbm.at[pl.ds(base, bpw)], iidx_v)
    g1 = pltpu.async_copy(th_hbm.at[uidx_v], th_v, gsem)
    g2 = pltpu.async_copy(ph_hbm.at[iidx_v], ph_v, gsem)
    g3 = pltpu.async_copy(embu_hbm.at[uidx_v], urows_v, sem)
    g4 = pltpu.async_copy(embi_hbm.at[iidx_v], irows_v, sem)
    g1.wait()
    g2.wait()
    g3.wait()
    g4.wait()
    pltpu.sync_copy(th_v, th_out.at[pl.ds(base, bpw)])
    pltpu.sync_copy(ph_v, ph_out.at[pl.ds(base, bpw)])
    pltpu.sync_copy(urows_v, urows_out.at[pl.ds(base, bpw)])
    pltpu.sync_copy(irows_v, irows_out.at[pl.ds(base, bpw)])


@functools.lru_cache(maxsize=None)
def _make_sc_gather(B, D):
    assert B % (8 * _NW) == 0
    bpw = B // _NW
    mesh = plsc.VectorSubcoreMesh(core_axis_name="c", subcore_axis_name="s")
    f32 = jnp.float32
    return pl.kernel(
        functools.partial(_sc_gather_body, bpw),
        mesh=mesh,
        out_type=[
            jax.ShapeDtypeStruct((B, D), f32),
            jax.ShapeDtypeStruct((B, D), f32),
            jax.ShapeDtypeStruct((B,), f32),
            jax.ShapeDtypeStruct((B,), f32),
        ],
        scratch_types=[
            pltpu.VMEM((bpw,), jnp.int32),
            pltpu.VMEM((bpw,), jnp.int32),
            pltpu.VMEM((bpw, D), f32),
            pltpu.VMEM((bpw, D), f32),
            pltpu.VMEM((bpw,), f32),
            pltpu.VMEM((bpw,), f32),
            pltpu.SemaphoreType.DMA,
            pltpu.SemaphoreType.DMA,
        ],
        compiler_params=pltpu.CompilerParams(use_tc_tiling_on_sc=False),
    )


def _sigmoid(x):
    return 1.0 / (1.0 + jnp.exp(-x))


def _tc_body(urows_ref, irows_ref, th_ref, ph_ref, dens_ref,
             w1_ref, b1_ref, w2_ref, b2_ref, w3_ref, b3_ref,
             rho_ref, alpha_ref, theta_ref, phi_ref, pred_ref, w_scr):
    g = pl.program_id(0)

    @pl.when(g == 0)
    def _():
        a_raw = urows_ref[...]
        r_raw = irows_ref[...]
        a = jnp.exp(a_raw - jnp.max(a_raw, axis=-1, keepdims=True))
        a = a / jnp.sum(a, axis=-1, keepdims=True)
        r = jnp.exp(r_raw - jnp.max(r_raw, axis=-1, keepdims=True))
        r = r / jnp.sum(r, axis=-1, keepdims=True)
        alpha_ref[...] = a
        rho_ref[...] = r
        th = _sigmoid(th_ref[...])
        ph = _sigmoid(ph_ref[...])
        theta_ref[...] = th
        phi_ref[...] = ph
        ra = jnp.sum(r * a, axis=-1)
        w_scr[...] = (ra * th[:, 0] * ph[:, 0])[None, :]

    d = dens_ref[...]
    h = jnp.maximum(d * w1_ref[...] + b1_ref[...], 0.0)
    h = jnp.maximum(
        jnp.dot(h, w2_ref[...], preferred_element_type=jnp.float32)
        + b2_ref[...], 0.0)
    eta = jnp.dot(h, w3_ref[...], preferred_element_type=jnp.float32) \
        + b3_ref[...]
    lmbd = jnp.exp(eta)
    pred_ref[...] = lmbd * w_scr[...]


@functools.lru_cache(maxsize=None)
def _make_tc_main(B, D, RB):
    f32 = jnp.float32
    grid = (B // RB,)
    full = lambda *s: pl.BlockSpec(s, lambda g: (0,) * len(s))
    return pl.pallas_call(
        _tc_body,
        grid=grid,
        in_specs=[
            full(B, D),
            full(B, D),
            full(B, 1),
            full(B, 1),
            pl.BlockSpec((RB, 1), lambda g: (g, 0)),
            full(1, 10), full(1, 10),
            full(10, 10), full(1, 10),
            full(10, 1), full(1, 1),
        ],
        out_specs=[
            full(B, D),
            full(B, D),
            full(B, 1),
            full(B, 1),
            pl.BlockSpec((RB, B), lambda g: (g, 0)),
        ],
        out_shape=[
            jax.ShapeDtypeStruct((B, D), f32),
            jax.ShapeDtypeStruct((B, D), f32),
            jax.ShapeDtypeStruct((B, 1), f32),
            jax.ShapeDtypeStruct((B, 1), f32),
            jax.ShapeDtypeStruct((B, B), f32),
        ],
        scratch_shapes=[pltpu.VMEM((1, B), f32)],
    )


def kernel(users, items, users_degree, items_degree, density,
           emb_users, emb_items, emb_theta_users, emb_phi_items,
           logit_pi, logit_psi, W1, b1, W2, b2, W3, b3):
    B = users.shape[0]
    U, D = emb_users.shape
    urows, irows, thg, phg = _make_sc_gather(B, D)(
        users, items, emb_users, emb_items,
        emb_theta_users.reshape(-1), emb_phi_items.reshape(-1))
    rho, alpha, theta, phi, pred = _make_tc_main(B, D, 512)(
        urows, irows, thg.reshape(B, 1), phg.reshape(B, 1), density,
        W1, b1.reshape(1, 10), W2, b2.reshape(1, 10), W3, b3.reshape(1, 1))
    empty_u = jnp.zeros((B, 0), jnp.float32)
    empty_i = jnp.zeros((B, 0), jnp.float32)
    sigma = jnp.float32(0.01)
    return (rho, alpha, empty_u, empty_i, logit_pi, logit_psi,
            theta, phi, sigma, sigma, pred)

# --- scband reference (transcript-rebuilt; emitter-appended) ---
"""Pipeline reference for scband-q-phi-network-38620345926209 (READ-ONLY COPY).

The authoritative reference and input builder live on the scoring server;
editing this copy changes nothing except your own understanding.
"""

import jax, jax.numpy as jnp
import numpy as np

B = 4096
U = 100000
I = 100000
D = 64


def setup_inputs(seed: int = 0) -> dict:
    key = jax.random.key(seed)
    ks = jax.random.split(key, 16)
    users = jax.random.randint(ks[0], (B,), 0, U, dtype=jnp.int64 if jax.config.jax_enable_x64 else jnp.int32)
    items = jax.random.randint(ks[1], (B,), 0, I, dtype=jnp.int64 if jax.config.jax_enable_x64 else jnp.int32)
    users_degree = jax.random.uniform(ks[2], (U,), dtype=jnp.float32)
    items_degree = jax.random.uniform(ks[3], (I,), dtype=jnp.float32)
    density = jax.random.uniform(ks[4], (B, 1), dtype=jnp.float32)
    # learned parameters (nn.Embedding default init ~ N(0,1))
    emb_users = jax.random.normal(ks[5], (U, D), dtype=jnp.float32)
    emb_items = jax.random.normal(ks[6], (I, D), dtype=jnp.float32)
    emb_theta_users = jax.random.normal(ks[7], (U, 1), dtype=jnp.float32)
    emb_phi_items = jax.random.normal(ks[8], (I, 1), dtype=jnp.float32)
    # probs_user / probs_item are empty lists -> K = H = 0
    logit_pi = jnp.zeros((0,), dtype=jnp.float32)
    logit_psi = jnp.zeros((0,), dtype=jnp.float32)
    # mlp_density: Linear(1,10) -> ReLU -> Linear(10,10) -> ReLU -> Linear(10,1)
    W1 = jax.random.uniform(ks[9], (1, 10), dtype=jnp.float32, minval=-1.0, maxval=1.0)
    b1 = jax.random.uniform(ks[10], (10,), dtype=jnp.float32, minval=-1.0, maxval=1.0)
    W2 = jax.random.uniform(ks[11], (10, 10), dtype=jnp.float32, minval=-0.316, maxval=0.316)
    b2 = jax.random.uniform(ks[12], (10,), dtype=jnp.float32, minval=-0.316, maxval=0.316)
    W3 = jax.random.uniform(ks[13], (10, 1), dtype=jnp.float32, minval=-0.316, maxval=0.316)
    b3 = jax.random.uniform(ks[14], (1,), dtype=jnp.float32, minval=-0.316, maxval=0.316)
    return {
        "users": users, "items": items,
        "users_degree": users_degree, "items_degree": items_degree,
        "density": density,
        "emb_users": emb_users, "emb_items": emb_items,
        "emb_theta_users": emb_theta_users, "emb_phi_items": emb_phi_items,
        "logit_pi": logit_pi, "logit_psi": logit_psi,
        "W1": W1, "b1": b1, "W2": W2, "b2": b2, "W3": W3, "b3": b3,
    }


def reference(users, items, users_degree, items_degree, density,
              emb_users, emb_items, emb_theta_users, emb_phi_items,
              logit_pi, logit_psi, W1, b1, W2, b2, W3, b3):
    # embedding gathers (SparseCore-style lookups)
    rho_user = jax.nn.softmax(jnp.take(emb_items, items, axis=0), axis=-1)      # [B, D]
    alpha_item = jax.nn.softmax(jnp.take(emb_users, users, axis=0), axis=-1)    # [B, D]
    rho_alpha = jnp.sum(rho_user * alpha_item, axis=-1)                          # [B]
    theta_user = jax.nn.sigmoid(jnp.take(emb_theta_users, users, axis=0))       # [B, 1]
    phi_item = jax.nn.sigmoid(jnp.take(emb_phi_items, items, axis=0))           # [B, 1]
    # mlp_density
    h = jax.nn.relu(density @ W1 + b1)
    h = jax.nn.relu(h @ W2 + b2)
    eta = h @ W3 + b3                                                            # [B, 1]
    lmbd = jnp.exp(eta)                                                          # [B, 1]
    # faithful to torch broadcasting: [B,1] * [B] -> [B,B]
    pred_interactions = lmbd * rho_alpha * theta_user.reshape(-1) * phi_item.reshape(-1)
    # compute_log_probabilities with K = H = 0 -> [B, 0] placeholders
    x = jnp.take(users_degree, users, axis=0)
    y = jnp.take(items_degree, items, axis=0)
    log_p_user = jnp.zeros((x.shape[0], 0), dtype=jnp.float32)
    log_q_item = jnp.zeros((y.shape[0], 0), dtype=jnp.float32)
    sigma_u = jnp.asarray(0.01, dtype=jnp.float32)
    sigma_i = jnp.asarray(0.01, dtype=jnp.float32)
    return (rho_user, alpha_item, log_p_user, log_q_item, logit_pi, logit_psi,
            theta_user, phi_item, sigma_u, sigma_i, pred_interactions)

if __name__ == "__main__":
    import jax
    _d = setup_inputs()
    print(jax.jit(kernel)(*tuple(_d.values())))

</pallas_src>

<mosaic_0001>
#map = affine_map<(d0, d1) -> (0)>
#map1 = affine_map<(d0, d1) -> (0, 0)>
module attributes {stable_mosaic.version = 14 : i64} {
  func.func @_sc_gather_body(%arg0: i32, %arg1: i32, %arg2: memref<4096xi32, #tpu.memory_space<hbm>>, %arg3: memref<4096xi32, #tpu.memory_space<hbm>>, %arg4: memref<100000x64xf32, #tpu.memory_space<hbm>>, %arg5: memref<100000x64xf32, #tpu.memory_space<hbm>>, %arg6: memref<100000xf32, #tpu.memory_space<hbm>>, %arg7: memref<100000xf32, #tpu.memory_space<hbm>>, %arg8: memref<4096x64xf32, #tpu.memory_space<hbm>>, %arg9: memref<4096x64xf32, #tpu.memory_space<hbm>>, %arg10: memref<4096xf32, #tpu.memory_space<hbm>>, %arg11: memref<4096xf32, #tpu.memory_space<hbm>>, %arg12: memref<128xi32, #tpu.memory_space<vmem>>, %arg13: memref<128xi32, #tpu.memory_space<vmem>>, %arg14: memref<128x64xf32, #tpu.memory_space<vmem>>, %arg15: memref<128x64xf32, #tpu.memory_space<vmem>>, %arg16: memref<128xf32, #tpu.memory_space<vmem>>, %arg17: memref<128xf32, #tpu.memory_space<vmem>>, %arg18: memref<!tpu.dma_semaphore, #tpu.memory_space<semaphore_mem>>, %arg19: memref<!tpu.dma_semaphore, #tpu.memory_space<semaphore_mem>>) attributes {dimension_semantics = [#tpu.dimension_semantics<core_parallel>, #tpu.dimension_semantics<subcore_parallel>], iteration_bounds = array<i64: 2, 16>, scalar_prefetch = 0 : i64, scratch_operands = 8 : i64, tpu.core_type = #tpu.core_type<sc_vector_subcore>, window_params = [{transform_indices = #map}, {transform_indices = #map}, {transform_indices = #map1}, {transform_indices = #map1}, {transform_indices = #map}, {transform_indices = #map}, {transform_indices = #map1}, {transform_indices = #map1}, {transform_indices = #map}, {transform_indices = #map}]} {
    %mul3A = arith.constant 2 : i32
    %mul3A_0 = arith.muli %arg1, %mul3A : i32
    %add3A = arith.addi %mul3A_0, %arg0 : i32
    %mul3A_1 = arith.constant 128 : i32
    %mul3A_2 = arith.muli %add3A, %mul3A_1 : i32
    "tpu.region"() ({
      %run_scoped3A = tpu.sem_alloc : memref<!tpu.dma_semaphore, #tpu.memory_space<semaphore_mem>>
      %dma_start3A_21 = tpu.memref_slice %arg2[%mul3A_2] : memref<4096xi32, #tpu.memory_space<hbm>> -> memref<128xi32, #tpu.memory_space<hbm>>
      %dma_start3A_22 = tpu.memref_slice %arg2[%mul3A_2] : memref<4096xi32, #tpu.memory_space<hbm>> -> memref<128xi32, #tpu.memory_space<hbm>>
      tpu.enqueue_dma source(%dma_start3A_22 : memref<128xi32, #tpu.memory_space<hbm>>) target(%arg12 : memref<128xi32, #tpu.memory_space<vmem>>) target_semaphore(%run_scoped3A : memref<!tpu.dma_semaphore, #tpu.memory_space<semaphore_mem>>)
      %dma_wait3A_23 = tpu.memref_slice %arg2[%mul3A_2] : memref<4096xi32, #tpu.memory_space<hbm>> -> memref<128xi32, #tpu.memory_space<hbm>>
      %dma_wait3A_24 = tpu.memref_slice %arg2[%mul3A_2] : memref<4096xi32, #tpu.memory_space<hbm>> -> memref<128xi32, #tpu.memory_space<hbm>>
      tpu.wait_dma2 semaphore(%run_scoped3A : memref<!tpu.dma_semaphore, #tpu.memory_space<semaphore_mem>>) src(%dma_wait3A_24 : memref<128xi32, #tpu.memory_space<hbm>>) dst(%arg12 : memref<128xi32, #tpu.memory_space<vmem>>)
      tpu.yield
    }) : () -> ()
    "tpu.region"() ({
      %run_scoped3A = tpu.sem_alloc : memref<!tpu.dma_semaphore, #tpu.memory_space<semaphore_mem>>
      %dma_start3A_21 = tpu.memref_slice %arg3[%mul3A_2] : memref<4096xi32, #tpu.memory_space<hbm>> -> memref<128xi32, #tpu.memory_space<hbm>>
      %dma_start3A_22 = tpu.memref_slice %arg3[%mul3A_2] : memref<4096xi32, #tpu.memory_space<hbm>> -> memref<128xi32, #tpu.memory_space<hbm>>
      tpu.enqueue_dma source(%dma_start3A_22 : memref<128xi32, #tpu.memory_space<hbm>>) target(%arg13 : memref<128xi32, #tpu.memory_space<vmem>>) target_semaphore(%run_scoped3A : memref<!tpu.dma_semaphore, #tpu.memory_space<semaphore_mem>>)
      %dma_wait3A_23 = tpu.memref_slice %arg3[%mul3A_2] : memref<4096xi32, #tpu.memory_space<hbm>> -> memref<128xi32, #tpu.memory_space<hbm>>
      %dma_wait3A_24 = tpu.memref_slice %arg3[%mul3A_2] : memref<4096xi32, #tpu.memory_space<hbm>> -> memref<128xi32, #tpu.memory_space<hbm>>
      tpu.wait_dma2 semaphore(%run_scoped3A : memref<!tpu.dma_semaphore, #tpu.memory_space<semaphore_mem>>) src(%dma_wait3A_24 : memref<128xi32, #tpu.memory_space<hbm>>) dst(%arg13 : memref<128xi32, #tpu.memory_space<vmem>>)
      tpu.yield
    }) : () -> ()
    %dma_start3A = arith.constant 0 : i32
    %dma_start3A_3 = tpu.memref_slice %arg6[%dma_start3A] : memref<100000xf32, #tpu.memory_space<hbm>> -> memref<100000xf32, #tpu.memory_space<hbm>>
    tpu.enqueue_indirect_dma source(%dma_start3A_3 : memref<100000xf32, #tpu.memory_space<hbm>>) target(%arg16 : memref<128xf32, #tpu.memory_space<vmem>>) offsets(%arg12 : memref<128xi32, #tpu.memory_space<vmem>>) semaphore(%arg19 : memref<!tpu.dma_semaphore, #tpu.memory_space<semaphore_mem>>)
    %dma_start3A_4 = arith.constant 0 : i32
    %dma_start3A_5 = tpu.memref_slice %arg7[%dma_start3A_4] : memref<100000xf32, #tpu.memory_space<hbm>> -> memref<100000xf32, #tpu.memory_space<hbm>>
    tpu.enqueue_indirect_dma source(%dma_start3A_5 : memref<100000xf32, #tpu.memory_space<hbm>>) target(%arg17 : memref<128xf32, #tpu.memory_space<vmem>>) offsets(%arg13 : memref<128xi32, #tpu.memory_space<vmem>>) semaphore(%arg19 : memref<!tpu.dma_semaphore, #tpu.memory_space<semaphore_mem>>)
    %dma_start3A_6 = arith.constant 0 : i32
    %dma_start3A_7 = arith.constant 0 : i32
    %dma_start3A_8 = tpu.memref_slice %arg4[%dma_start3A_6, %dma_start3A_7] : memref<100000x64xf32, #tpu.memory_space<hbm>> -> memref<100000x64xf32, #tpu.memory_space<hbm>>
    tpu.enqueue_indirect_dma source(%dma_start3A_8 : memref<100000x64xf32, #tpu.memory_space<hbm>>) target(%arg14 : memref<128x64xf32, #tpu.memory_space<vmem>>) offsets(%arg12 : memref<128xi32, #tpu.memory_space<vmem>>) semaphore(%arg18 : memref<!tpu.dma_semaphore, #tpu.memory_space<semaphore_mem>>)
    %dma_start3A_9 = arith.constant 0 : i32
    %dma_start3A_10 = arith.constant 0 : i32
    %dma_start3A_11 = tpu.memref_slice %arg5[%dma_start3A_9, %dma_start3A_10] : memref<100000x64xf32, #tpu.memory_space<hbm>> -> memref<100000x64xf32, #tpu.memory_space<hbm>>
    tpu.enqueue_indirect_dma source(%dma_start3A_11 : memref<100000x64xf32, #tpu.memory_space<hbm>>) target(%arg15 : memref<128x64xf32, #tpu.memory_space<vmem>>) offsets(%arg13 : memref<128xi32, #tpu.memory_space<vmem>>) semaphore(%arg18 : memref<!tpu.dma_semaphore, #tpu.memory_space<semaphore_mem>>)
    %dma_wait3A = arith.constant 0 : i32
    %dma_wait3A_12 = tpu.memref_slice %arg6[%dma_wait3A] : memref<100000xf32, #tpu.memory_space<hbm>> -> memref<100000xf32, #tpu.memory_space<hbm>>
    tpu.wait_indirect_dma semaphore(%arg19 : memref<!tpu.dma_semaphore, #tpu.memory_space<semaphore_mem>>) src(%dma_wait3A_12 : memref<100000xf32, #tpu.memory_space<hbm>>) dst(%arg16 : memref<128xf32, #tpu.memory_space<vmem>>)
    %dma_wait3A_13 = arith.constant 0 : i32
    %dma_wait3A_14 = tpu.memref_slice %arg7[%dma_wait3A_13] : memref<100000xf32, #tpu.memory_space<hbm>> -> memref<100000xf32, #tpu.memory_space<hbm>>
    tpu.wait_indirect_dma semaphore(%arg19 : memref<!tpu.dma_semaphore, #tpu.memory_space<semaphore_mem>>) src(%dma_wait3A_14 : memref<100000xf32, #tpu.memory_space<hbm>>) dst(%arg17 : memref<128xf32, #tpu.memory_space<vmem>>)
    %dma_wait3A_15 = arith.constant 0 : i32
    %dma_wait3A_16 = arith.constant 0 : i32
    %dma_wait3A_17 = tpu.memref_slice %arg4[%dma_wait3A_15, %dma_wait3A_16] : memref<100000x64xf32, #tpu.memory_space<hbm>> -> memref<100000x64xf32, #tpu.memory_space<hbm>>
    tpu.wait_indirect_dma semaphore(%arg18 : memref<!tpu.dma_semaphore, #tpu.memory_space<semaphore_mem>>) src(%dma_wait3A_17 : memref<100000x64xf32, #tpu.memory_space<hbm>>) dst(%arg14 : memref<128x64xf32, #tpu.memory_space<vmem>>)
    %dma_wait3A_18 = arith.constant 0 : i32
    %dma_wait3A_19 = arith.constant 0 : i32
    %dma_wait3A_20 = tpu.memref_slice %arg5[%dma_wait3A_18, %dma_wait3A_19] : memref<100000x64xf32, #tpu.memory_space<hbm>> -> memref<100000x64xf32, #tpu.memory_space<hbm>>
    tpu.wait_indirect_dma semaphore(%arg18 : memref<!tpu.dma_semaphore, #tpu.memory_space<semaphore_mem>>) src(%dma_wait3A_20 : memref<100000x64xf32, #tpu.memory_space<hbm>>) dst(%arg15 : memref<128x64xf32, #tpu.memory_space<vmem>>)
    "tpu.region"() ({
      %run_scoped3A = tpu.sem_alloc : memref<!tpu.dma_semaphore, #tpu.memory_space<semaphore_mem>>
      %dma_start3A_21 = tpu.memref_slice %arg10[%mul3A_2] : memref<4096xf32, #tpu.memory_space<hbm>> -> memref<128xf32, #tpu.memory_space<hbm>>
      %dma_start3A_22 = tpu.memref_slice %arg10[%mul3A_2] : memref<4096xf32, #tpu.memory_space<hbm>> -> memref<128xf32, #tpu.memory_space<hbm>>
      tpu.enqueue_dma source(%arg16 : memref<128xf32, #tpu.memory_space<vmem>>) target(%dma_start3A_22 : memref<128xf32, #tpu.memory_space<hbm>>) target_semaphore(%run_scoped3A : memref<!tpu.dma_semaphore, #tpu.memory_space<semaphore_mem>>)
      %dma_wait3A_23 = tpu.memref_slice %arg10[%mul3A_2] : memref<4096xf32, #tpu.memory_space<hbm>> -> memref<128xf32, #tpu.memory_space<hbm>>
      %dma_wait3A_24 = tpu.memref_slice %arg10[%mul3A_2] : memref<4096xf32, #tpu.memory_space<hbm>> -> memref<128xf32, #tpu.memory_space<hbm>>
      tpu.wait_dma2 semaphore(%run_scoped3A : memref<!tpu.dma_semaphore, #tpu.memory_space<semaphore_mem>>) src(%arg16 : memref<128xf32, #tpu.memory_space<vmem>>) dst(%dma_wait3A_24 : memref<128xf32, #tpu.memory_space<hbm>>)
      tpu.yield
    }) : () -> ()
    "tpu.region"() ({
      %run_scoped3A = tpu.sem_alloc : memref<!tpu.dma_semaphore, #tpu.memory_space<semaphore_mem>>
      %dma_start3A_21 = tpu.memref_slice %arg11[%mul3A_2] : memref<4096xf32, #tpu.memory_space<hbm>> -> memref<128xf32, #tpu.memory_space<hbm>>
      %dma_start3A_22 = tpu.memref_slice %arg11[%mul3A_2] : memref<4096xf32, #tpu.memory_space<hbm>> -> memref<128xf32, #tpu.memory_space<hbm>>
      tpu.enqueue_dma source(%arg17 : memref<128xf32, #tpu.memory_space<vmem>>) target(%dma_start3A_22 : memref<128xf32, #tpu.memory_space<hbm>>) target_semaphore(%run_scoped3A : memref<!tpu.dma_semaphore, #tpu.memory_space<semaphore_mem>>)
      %dma_wait3A_23 = tpu.memref_slice %arg11[%mul3A_2] : memref<4096xf32, #tpu.memory_space<hbm>> -> memref<128xf32, #tpu.memory_space<hbm>>
      %dma_wait3A_24 = tpu.memref_slice %arg11[%mul3A_2] : memref<4096xf32, #tpu.memory_space<hbm>> -> memref<128xf32, #tpu.memory_space<hbm>>
      tpu.wait_dma2 semaphore(%run_scoped3A : memref<!tpu.dma_semaphore, #tpu.memory_space<semaphore_mem>>) src(%arg17 : memref<128xf32, #tpu.memory_space<vmem>>) dst(%dma_wait3A_24 : memref<128xf32, #tpu.memory_space<hbm>>)
      tpu.yield
    }) : () -> ()
    "tpu.region"() ({
      %run_scoped3A = tpu.sem_alloc : memref<!tpu.dma_semaphore, #tpu.memory_space<semaphore_mem>>
      %dma_start3A_21 = arith.constant 0 : i32
      %dma_start3A_22 = tpu.memref_slice %arg8[%mul3A_2, %dma_start3A_21] : memref<4096x64xf32, #tpu.memory_space<hbm>> -> memref<128x64xf32, #tpu.memory_space<hbm>>
      %dma_start3A_23 = arith.constant 0 : i32
      %dma_start3A_24 = tpu.memref_slice %arg8[%mul3A_2, %dma_start3A_23] : memref<4096x64xf32, #tpu.memory_space<hbm>> -> memref<128x64xf32, #tpu.memory_space<hbm>>
      tpu.enqueue_dma source(%arg14 : memref<128x64xf32, #tpu.memory_space<vmem>>) target(%dma_start3A_24 : memref<128x64xf32, #tpu.memory_space<hbm>>) target_semaphore(%run_scoped3A : memref<!tpu.dma_semaphore, #tpu.memory_space<semaphore_mem>>)
      %dma_wait3A_25 = arith.constant 0 : i32
      %dma_wait3A_26 = tpu.memref_slice %arg8[%mul3A_2, %dma_wait3A_25] : memref<4096x64xf32, #tpu.memory_space<hbm>> -> memref<128x64xf32, #tpu.memory_space<hbm>>
      %dma_wait3A_27 = arith.constant 0 : i32
      %dma_wait3A_28 = tpu.memref_slice %arg8[%mul3A_2, %dma_wait3A_27] : memref<4096x64xf32, #tpu.memory_space<hbm>> -> memref<128x64xf32, #tpu.memory_space<hbm>>
      tpu.wait_dma2 semaphore(%run_scoped3A : memref<!tpu.dma_semaphore, #tpu.memory_space<semaphore_mem>>) src(%arg14 : memref<128x64xf32, #tpu.memory_space<vmem>>) dst(%dma_wait3A_28 : memref<128x64xf32, #tpu.memory_space<hbm>>)
      tpu.yield
    }) : () -> ()
    "tpu.region"() ({
      %run_scoped3A = tpu.sem_alloc : memref<!tpu.dma_semaphore, #tpu.memory_space<semaphore_mem>>
      %dma_start3A_21 = arith.constant 0 : i32
      %dma_start3A_22 = tpu.memref_slice %arg9[%mul3A_2, %dma_start3A_21] : memref<4096x64xf32, #tpu.memory_space<hbm>> -> memref<128x64xf32, #tpu.memory_space<hbm>>
      %dma_start3A_23 = arith.constant 0 : i32
      %dma_start3A_24 = tpu.memref_slice %arg9[%mul3A_2, %dma_start3A_23] : memref<4096x64xf32, #tpu.memory_space<hbm>> -> memref<128x64xf32, #tpu.memory_space<hbm>>
      tpu.enqueue_dma source(%arg15 : memref<128x64xf32, #tpu.memory_space<vmem>>) target(%dma_start3A_24 : memref<128x64xf32, #tpu.memory_space<hbm>>) target_semaphore(%run_scoped3A : memref<!tpu.dma_semaphore, #tpu.memory_space<semaphore_mem>>)
      %dma_wait3A_25 = arith.constant 0 : i32
      %dma_wait3A_26 = tpu.memref_slice %arg9[%mul3A_2, %dma_wait3A_25] : memref<4096x64xf32, #tpu.memory_space<hbm>> -> memref<128x64xf32, #tpu.memory_space<hbm>>
      %dma_wait3A_27 = arith.constant 0 : i32
      %dma_wait3A_28 = tpu.memref_slice %arg9[%mul3A_2, %dma_wait3A_27] : memref<4096x64xf32, #tpu.memory_space<hbm>> -> memref<128x64xf32, #tpu.memory_space<hbm>>
      tpu.wait_dma2 semaphore(%run_scoped3A : memref<!tpu.dma_semaphore, #tpu.memory_space<semaphore_mem>>) src(%arg15 : memref<128x64xf32, #tpu.memory_space<vmem>>) dst(%dma_wait3A_28 : memref<128x64xf32, #tpu.memory_space<hbm>>)
      tpu.yield
    }) : () -> ()
    return
  }
}

module attributes {stable_mosaic.version = 14 : i64} {
  func.func @_tc_body(%arg0: i32, %arg1: memref<4096x64xf32, #tpu.memory_space<vmem>>, %arg2: memref<4096x64xf32, #tpu.memory_space<vmem>>, %arg3: memref<4096x1xf32, #tpu.memory_space<vmem>>, %arg4: memref<4096x1xf32, #tpu.memory_space<vmem>>, %arg5: memref<512x1xf32, #tpu.memory_space<vmem>>, %arg6: memref<1x10xf32, #tpu.memory_space<vmem>>, %arg7: memref<1x10xf32, #tpu.memory_space<vmem>>, %arg8: memref<10x10xf32, #tpu.memory_space<vmem>>, %arg9: memref<1x10xf32, #tpu.memory_space<vmem>>, %arg10: memref<10x1xf32, #tpu.memory_space<vmem>>, %arg11: memref<1x1xf32, #tpu.memory_space<vmem>>, %arg12: memref<4096x64xf32, #tpu.memory_space<vmem>>, %arg13: memref<4096x64xf32, #tpu.memory_space<vmem>>, %arg14: memref<4096x1xf32, #tpu.memory_space<vmem>>, %arg15: memref<4096x1xf32, #tpu.memory_space<vmem>>, %arg16: memref<512x4096xf32, #tpu.memory_space<vmem>>, %arg17: memref<1x4096xf32, #tpu.memory_space<vmem>>) attributes {dimension_semantics = [#tpu.dimension_semantics<arbitrary>], iteration_bounds = array<i64: 8>, scalar_prefetch = 0 : i64, scratch_operands = 1 : i64, tpu.core_type = #tpu.core_type<tc>, window_params = [{pipeline_mode = #tpu.pipeline_mode<synchronous>, transform_indices = @transform_0, window_bounds = array<i64: 4096, 64>}, {pipeline_mode = #tpu.pipeline_mode<synchronous>, transform_indices = @transform_1, window_bounds = array<i64: 4096, 64>}, {pipeline_mode = #tpu.pipeline_mode<synchronous>, transform_indices = @transform_2, window_bounds = array<i64: 4096, 1>}, {pipeline_mode = #tpu.pipeline_mode<synchronous>, transform_indices = @transform_3, window_bounds = array<i64: 4096, 1>}, {transform_indices = @transform_4, window_bounds = array<i64: 512, 1>}, {pipeline_mode = #tpu.pipeline_mode<synchronous>, transform_indices = @transform_5, window_bounds = array<i64: 1, 10>}, {pipeline_mode = #tpu.pipeline_mode<synchronous>, transform_indices = @transform_6, window_bounds = array<i64: 1, 10>}, {pipeline_mode = #tpu.pipeline_mode<synchronous>, transform_indices = @transform_7, window_bounds = array<i64: 10, 10>}, {pipeline_mode = #tpu.pipeline_mode<synchronous>, transform_indices = @transform_8, window_bounds = array<i64: 1, 10>}, {pipeline_mode = #tpu.pipeline_mode<synchronous>, transform_indices = @transform_9, window_bounds = array<i64: 10, 1>}, {pipeline_mode = #tpu.pipeline_mode<synchronous>, transform_indices = @transform_10, window_bounds = array<i64: 1, 1>}, {pipeline_mode = #tpu.pipeline_mode<synchronous>, transform_indices = @transform_11, window_bounds = array<i64: 4096, 64>}, {pipeline_mode = #tpu.pipeline_mode<synchronous>, transform_indices = @transform_12, window_bounds = array<i64: 4096, 64>}, {pipeline_mode = #tpu.pipeline_mode<synchronous>, transform_indices = @transform_13, window_bounds = array<i64: 4096, 1>}, {pipeline_mode = #tpu.pipeline_mode<synchronous>, transform_indices = @transform_14, window_bounds = array<i64: 4096, 1>}, {transform_indices = @transform_15, window_bounds = array<i64: 512, 4096>}]} {
    %eq3A = arith.constant 0 : i32
    %eq3A_0 = arith.cmpi eq, %arg0, %eq3A : i32
    %convert_element_type3A = arith.extui %eq3A_0 : i1 to i32
    %cond3A = arith.constant 0 : i32
    %cond3A_1 = arith.cmpi ne, %convert_element_type3A, %cond3A : i32
    scf.if %cond3A_1 {
      %get3A_45 = arith.constant 0 : index
      %get3A_46 = arith.constant 0 : index
      %get3A_47 = vector.load %arg1[%get3A_45, %get3A_46] : memref<4096x64xf32, #tpu.memory_space<vmem>>, vector<4096x64xf32>
      %get3A_48 = arith.constant 0 : index
      %get3A_49 = arith.constant 0 : index
      %get3A_50 = vector.load %arg2[%get3A_48, %get3A_49] : memref<4096x64xf32, #tpu.memory_space<vmem>>, vector<4096x64xf32>
      %reduce_max3A = arith.constant dense<0xFF800000> : vector<4096xf32>
      %reduce_max3A_51 = vector.multi_reduction <maximumf>, %get3A_47, %reduce_max3A [1] : vector<4096x64xf32> to vector<4096xf32>
      %broadcast_in_dim3A = vector.shape_cast %reduce_max3A_51 : vector<4096xf32> to vector<4096x1xf32>
      %sub3A = vector.broadcast %broadcast_in_dim3A : vector<4096x1xf32> to vector<4096x64xf32>
      %sub3A_52 = arith.subf %get3A_47, %sub3A : vector<4096x64xf32>
      %exp3A_53 = math.exp %sub3A_52 : vector<4096x64xf32>
      %reduce_sum3A = arith.constant dense<0.000000e+00> : vector<4096xf32>
      %reduce_sum3A_54 = vector.multi_reduction <add>, %exp3A_53, %reduce_sum3A [1] : vector<4096x64xf32> to vector<4096xf32>
      %broadcast_in_dim3A_55 = vector.shape_cast %reduce_sum3A_54 : vector<4096xf32> to vector<4096x1xf32>
      %div3A = vector.broadcast %broadcast_in_dim3A_55 : vector<4096x1xf32> to vector<4096x64xf32>
      %div3A_56 = arith.divf %exp3A_53, %div3A : vector<4096x64xf32>
      %reduce_max3A_57 = arith.constant dense<0xFF800000> : vector<4096xf32>
      %reduce_max3A_58 = vector.multi_reduction <maximumf>, %get3A_50, %reduce_max3A_57 [1] : vector<4096x64xf32> to vector<4096xf32>
      %broadcast_in_dim3A_59 = vector.shape_cast %reduce_max3A_58 : vector<4096xf32> to vector<4096x1xf32>
      %sub3A_60 = vector.broadcast %broadcast_in_dim3A_59 : vector<4096x1xf32> to vector<4096x64xf32>
      %sub3A_61 = arith.subf %get3A_50, %sub3A_60 : vector<4096x64xf32>
      %exp3A_62 = math.exp %sub3A_61 : vector<4096x64xf32>
      %reduce_sum3A_63 = arith.constant dense<0.000000e+00> : vector<4096xf32>
      %reduce_sum3A_64 = vector.multi_reduction <add>, %exp3A_62, %reduce_sum3A_63 [1] : vector<4096x64xf32> to vector<4096xf32>
      %broadcast_in_dim3A_65 = vector.shape_cast %reduce_sum3A_64 : vector<4096xf32> to vector<4096x1xf32>
      %div3A_66 = vector.broadcast %broadcast_in_dim3A_65 : vector<4096x1xf32> to vector<4096x64xf32>
      %div3A_67 = arith.divf %exp3A_62, %div3A_66 : vector<4096x64xf32>
      %swap3A_68 = arith.constant 0 : index
      %swap3A_69 = arith.constant 0 : index
      %swap3A_70 = vector.load %arg13[%swap3A_68, %swap3A_69] : memref<4096x64xf32, #tpu.memory_space<vmem>>, vector<4096x64xf32>
      tpu.vector_store %arg13[%swap3A_68, %swap3A_69], %div3A_56 {strides = array<i32>} : memref<4096x64xf32, #tpu.memory_space<vmem>>, vector<4096x64xf32>,
      %swap3A_71 = arith.constant 0 : index
      %swap3A_72 = arith.constant 0 : index
      %swap3A_73 = vector.load %arg12[%swap3A_71, %swap3A_72] : memref<4096x64xf32, #tpu.memory_space<vmem>>, vector<4096x64xf32>
      tpu.vector_store %arg12[%swap3A_71, %swap3A_72], %div3A_67 {strides = array<i32>} : memref<4096x64xf32, #tpu.memory_space<vmem>>, vector<4096x64xf32>,
      %get3A_74 = arith.constant 0 : index
      %get3A_75 = arith.constant 0 : index
      %get3A_76 = vector.load %arg3[%get3A_74, %get3A_75] : memref<4096x1xf32, #tpu.memory_space<vmem>>, vector<4096x1xf32>
      %neg3A = arith.constant 0.000000e+00 : f32
      %neg3A_77 = vector.broadcast %neg3A : f32 to vector<4096x1xf32>
      %neg3A_78 = arith.subf %neg3A_77, %get3A_76 : vector<4096x1xf32>
      %exp3A_79 = math.exp %neg3A_78 : vector<4096x1xf32>
      %add3A_80 = arith.constant 1.000000e+00 : f32
      %add3A_81 = vector.broadcast %add3A_80 : f32 to vector<4096x1xf32>
      %add3A_82 = arith.addf %add3A_81, %exp3A_79 : vector<4096x1xf32>
      %div3A_83 = arith.constant 1.000000e+00 : f32
      %div3A_84 = vector.broadcast %div3A_83 : f32 to vector<4096x1xf32>
      %div3A_85 = arith.divf %div3A_84, %add3A_82 : vector<4096x1xf32>
      %get3A_86 = arith.constant 0 : index
      %get3A_87 = arith.constant 0 : index
      %get3A_88 = vector.load %arg4[%get3A_86, %get3A_87] : memref<4096x1xf32, #tpu.memory_space<vmem>>, vector<4096x1xf32>
      %neg3A_89 = arith.constant 0.000000e+00 : f32
      %neg3A_90 = vector.broadcast %neg3A_89 : f32 to vector<4096x1xf32>
      %neg3A_91 = arith.subf %neg3A_90, %get3A_88 : vector<4096x1xf32>
      %exp3A_92 = math.exp %neg3A_91 : vector<4096x1xf32>
      %add3A_93 = arith.constant 1.000000e+00 : f32
      %add3A_94 = vector.broadcast %add3A_93 : f32 to vector<4096x1xf32>
      %add3A_95 = arith.addf %add3A_94, %exp3A_92 : vector<4096x1xf32>
      %div3A_96 = arith.constant 1.000000e+00 : f32
      %div3A_97 = vector.broadcast %div3A_96 : f32 to vector<4096x1xf32>
      %div3A_98 = arith.divf %div3A_97, %add3A_95 : vector<4096x1xf32>
      %swap3A_99 = arith.constant 0 : index
      %swap3A_100 = arith.constant 0 : index
      %swap3A_101 = vector.load %arg14[%swap3A_99, %swap3A_100] : memref<4096x1xf32, #tpu.memory_space<vmem>>, vector<4096x1xf32>
      tpu.vector_store %arg14[%swap3A_99, %swap3A_100], %div3A_85 {strides = array<i32>} : memref<4096x1xf32, #tpu.memory_space<vmem>>, vector<4096x1xf32>,
      %swap3A_102 = arith.constant 0 : index
      %swap3A_103 = arith.constant 0 : index
      %swap3A_104 = vector.load %arg15[%swap3A_102, %swap3A_103] : memref<4096x1xf32, #tpu.memory_space<vmem>>, vector<4096x1xf32>
      tpu.vector_store %arg15[%swap3A_102, %swap3A_103], %div3A_98 {strides = array<i32>} : memref<4096x1xf32, #tpu.memory_space<vmem>>, vector<4096x1xf32>,
      %mul3A_105 = arith.mulf %div3A_67, %div3A_56 : vector<4096x64xf32>
      %reduce_sum3A_106 = arith.constant dense<0.000000e+00> : vector<4096xf32>
      %reduce_sum3A_107 = vector.multi_reduction <add>, %mul3A_105, %reduce_sum3A_106 [1] : vector<4096x64xf32> to vector<4096xf32>
      %squeeze3A = vector.shape_cast %div3A_85 : vector<4096x1xf32> to vector<4096xf32>
      %mul3A_108 = arith.mulf %reduce_sum3A_107, %squeeze3A : vector<4096xf32>
      %squeeze3A_109 = vector.shape_cast %div3A_98 : vector<4096x1xf32> to vector<4096xf32>
      %mul3A_110 = arith.mulf %mul3A_108, %squeeze3A_109 : vector<4096xf32>
      %broadcast_in_dim3A_111 = vector.shape_cast %mul3A_110 : vector<4096xf32> to vector<1x4096xf32>
      %swap3A_112 = arith.constant 0 : index
      %swap3A_113 = arith.constant 0 : index
      %swap3A_114 = vector.load %arg17[%swap3A_112, %swap3A_113] : memref<1x4096xf32, #tpu.memory_space<vmem>>, vector<1x4096xf32>
      tpu.vector_store %arg17[%swap3A_112, %swap3A_113], %broadcast_in_dim3A_111 {strides = array<i32>} : memref<1x4096xf32, #tpu.memory_space<vmem>>, vector<1x4096xf32>,
    } else {
    }
    %get3A = arith.constant 0 : index
    %get3A_2 = arith.constant 0 : index
    %get3A_3 = vector.load %arg5[%get3A, %get3A_2] : memref<512x1xf32, #tpu.memory_space<vmem>>, vector<512x1xf32>
    %get3A_4 = arith.constant 0 : index
    %get3A_5 = arith.constant 0 : index
    %get3A_6 = vector.load %arg6[%get3A_4, %get3A_5] : memref<1x10xf32, #tpu.memory_space<vmem>>, vector<1x10xf32>
    %mul3A = vector.broadcast %get3A_3 : vector<512x1xf32> to vector<512x10xf32>
    %mul3A_7 = vector.broadcast %get3A_6 : vector<1x10xf32> to vector<512x10xf32>
    %mul3A_8 = arith.mulf %mul3A, %mul3A_7 : vector<512x10xf32>
    %get3A_9 = arith.constant 0 : index
    %get3A_10 = arith.constant 0 : index
    %get3A_11 = vector.load %arg7[%get3A_9, %get3A_10] : memref<1x10xf32, #tpu.memory_space<vmem>>, vector<1x10xf32>
    %add3A = vector.broadcast %get3A_11 : vector<1x10xf32> to vector<512x10xf32>
    %add3A_12 = arith.addf %mul3A_8, %add3A : vector<512x10xf32>
    %max3A = arith.constant 0.000000e+00 : f32
    %max3A_13 = vector.broadcast %max3A : f32 to vector<512x10xf32>
    %max3A_14 = arith.maximumf %add3A_12, %max3A_13 : vector<512x10xf32>
    %get3A_15 = arith.constant 0 : index
    %get3A_16 = arith.constant 0 : index
    %get3A_17 = vector.load %arg8[%get3A_15, %get3A_16] : memref<10x10xf32, #tpu.memory_space<vmem>>, vector<10x10xf32>
    %dot_general3A = arith.constant dense<0.000000e+00> : vector<512x10xf32>
    %dot_general3A_18 = tpu.matmul %max3A_14, %get3A_17, %dot_general3A {dimension_numbers = #tpu.dot_dimension_numbers<[1], [0], [0], [1], [0, 0, 1, 1], [], []>, transpose_lhs_hint = false} : vector<512x10xf32>, vector<10x10xf32>, vector<512x10xf32> -> vector<512x10xf32>
    %get3A_19 = arith.constant 0 : index
    %get3A_20 = arith.constant 0 : index
    %get3A_21 = vector.load %arg9[%get3A_19, %get3A_20] : memref<1x10xf32, #tpu.memory_space<vmem>>, vector<1x10xf32>
    %add3A_22 = vector.broadcast %get3A_21 : vector<1x10xf32> to vector<512x10xf32>
    %add3A_23 = arith.addf %dot_general3A_18, %add3A_22 : vector<512x10xf32>
    %max3A_24 = arith.constant 0.000000e+00 : f32
    %max3A_25 = vector.broadcast %max3A_24 : f32 to vector<512x10xf32>
    %max3A_26 = arith.maximumf %add3A_23, %max3A_25 : vector<512x10xf32>
    %get3A_27 = arith.constant 0 : index
    %get3A_28 = arith.constant 0 : index
    %get3A_29 = vector.load %arg10[%get3A_27, %get3A_28] : memref<10x1xf32, #tpu.memory_space<vmem>>, vector<10x1xf32>
    %dot_general3A_30 = arith.constant dense<0.000000e+00> : vector<512x1xf32>
    %dot_general3A_31 = tpu.matmul %max3A_26, %get3A_29, %dot_general3A_30 {dimension_numbers = #tpu.dot_dimension_numbers<[1], [0], [0], [1], [0, 0, 1, 1], [], []>, transpose_lhs_hint = false} : vector<512x10xf32>, vector<10x1xf32>, vector<512x1xf32> -> vector<512x1xf32>
    %get3A_32 = arith.constant 0 : index
    %get3A_33 = arith.constant 0 : index
    %get3A_34 = vector.load %arg11[%get3A_32, %get3A_33] : memref<1x1xf32, #tpu.memory_space<vmem>>, vector<1x1xf32>
    %add3A_35 = vector.broadcast %get3A_34 : vector<1x1xf32> to vector<512x1xf32>
    %add3A_36 = arith.addf %dot_general3A_31, %add3A_35 : vector<512x1xf32>
    %exp3A = math.exp %add3A_36 : vector<512x1xf32>
    %get3A_37 = arith.constant 0 : index
    %get3A_38 = arith.constant 0 : index
    %get3A_39 = vector.load %arg17[%get3A_37, %get3A_38] : memref<1x4096xf32, #tpu.memory_space<vmem>>, vector<1x4096xf32>
    %mul3A_40 = vector.broadcast %exp3A : vector<512x1xf32> to vector<512x4096xf32>
    %mul3A_41 = vector.broadcast %get3A_39 : vector<1x4096xf32> to vector<512x4096xf32>
    %mul3A_42 = arith.mulf %mul3A_40, %mul3A_41 : vector<512x4096xf32>
    %swap3A = arith.constant 0 : index
    %swap3A_43 = arith.constant 0 : index
    %swap3A_44 = vector.load %arg16[%swap3A, %swap3A_43] : memref<512x4096xf32, #tpu.memory_space<vmem>>, vector<512x4096xf32>
    tpu.vector_store %arg16[%swap3A, %swap3A_43], %mul3A_42 {strides = array<i32>} : memref<512x4096xf32, #tpu.memory_space<vmem>>, vector<512x4096xf32>,
    return
  }
  func.func @transform_0(%arg0: i32) -> (i32, i32) {
    %c0_i32 = arith.constant 0 : i32
    %c0_i32_0 = arith.constant 0 : i32
    %c0_i32_1 = arith.constant 0 : i32
    return %c0_i32, %c0_i32_0 : i32, i32
  }
  func.func @transform_1(%arg0: i32) -> (i32, i32) {
    %c0_i32 = arith.constant 0 : i32
    %c0_i32_0 = arith.constant 0 : i32
    %c0_i32_1 = arith.constant 0 : i32
    return %c0_i32, %c0_i32_0 : i32, i32
  }
  func.func @transform_2(%arg0: i32) -> (i32, i32) {
    %c0_i32 = arith.constant 0 : i32
    %c0_i32_0 = arith.constant 0 : i32
    %c0_i32_1 = arith.constant 0 : i32
    return %c0_i32, %c0_i32_0 : i32, i32
  }
  func.func @transform_3(%arg0: i32) -> (i32, i32) {
    %c0_i32 = arith.constant 0 : i32
    %c0_i32_0 = arith.constant 0 : i32
    %c0_i32_1 = arith.constant 0 : i32
    return %c0_i32, %c0_i32_0 : i32, i32
  }
  func.func @transform_4(%arg0: i32) -> (i32, i32) {
    %c0_i32 = arith.constant 0 : i32
    %c0_i32_0 = arith.constant 0 : i32
    return %arg0, %c0_i32 : i32, i32
  }
  func.func @transform_5(%arg0: i32) -> (i32, i32) {
    %c0_i32 = arith.constant 0 : i32
    %c0_i32_0 = arith.constant 0 : i32
    %c0_i32_1 = arith.constant 0 : i32
    return %c0_i32, %c0_i32_0 : i32, i32
  }
  func.func @transform_6(%arg0: i32) -> (i32, i32) {
    %c0_i32 = arith.constant 0 : i32
    %c0_i32_0 = arith.constant 0 : i32
    %c0_i32_1 = arith.constant 0 : i32
    return %c0_i32, %c0_i32_0 : i32, i32
  }
  func.func @transform_7(%arg0: i32) -> (i32, i32) {
    %c0_i32 = arith.constant 0 : i32
    %c0_i32_0 = arith.constant 0 : i32
    %c0_i32_1 = arith.constant 0 : i32
    return %c0_i32, %c0_i32_0 : i32, i32
  }
  func.func @transform_8(%arg0: i32) -> (i32, i32) {
    %c0_i32 = arith.constant 0 : i32
    %c0_i32_0 = arith.constant 0 : i32
    %c0_i32_1 = arith.constant 0 : i32
    return %c0_i32, %c0_i32_0 : i32, i32
  }
  func.func @transform_9(%arg0: i32) -> (i32, i32) {
    %c0_i32 = arith.constant 0 : i32
    %c0_i32_0 = arith.constant 0 : i32
    %c0_i32_1 = arith.constant 0 : i32
    return %c0_i32, %c0_i32_0 : i32, i32
  }
  func.func @transform_10(%arg0: i32) -> (i32, i32) {
    %c0_i32 = arith.constant 0 : i32
    %c0_i32_0 = arith.constant 0 : i32
    %c0_i32_1 = arith.constant 0 : i32
    return %c0_i32, %c0_i32_0 : i32, i32
  }
  func.func @transform_11(%arg0: i32) -> (i32, i32) {
    %c0_i32 = arith.constant 0 : i32
    %c0_i32_0 = arith.constant 0 : i32
    %c0_i32_1 = arith.constant 0 : i32
    return %c0_i32, %c0_i32_0 : i32, i32
  }
  func.func @transform_12(%arg0: i32) -> (i32, i32) {
    %c0_i32 = arith.constant 0 : i32
    %c0_i32_0 = arith.constant 0 : i32
    %c0_i32_1 = arith.constant 0 : i32
    return %c0_i32, %c0_i32_0 : i32, i32
  }
  func.func @transform_13(%arg0: i32) -> (i32, i32) {
    %c0_i32 = arith.constant 0 : i32
    %c0_i32_0 = arith.constant 0 : i32
    %c0_i32_1 = arith.constant 0 : i32
    return %c0_i32, %c0_i32_0 : i32, i32
  }
  func.func @transform_14(%arg0: i32) -> (i32, i32) {
    %c0_i32 = arith.constant 0 : i32
    %c0_i32_0 = arith.constant 0 : i32
    %c0_i32_1 = arith.constant 0 : i32
    return %c0_i32, %c0_i32_0 : i32, i32
  }
  func.func @transform_15(%arg0: i32) -> (i32, i32) {
    %c0_i32 = arith.constant 0 : i32
    %c0_i32_0 = arith.constant 0 : i32
    return %arg0, %c0_i32 : i32, i32
  }
}

</mosaic_0001>

<sc_bundles>
// kernel: kernel.4.cloned.1.call-start
scs
__scs_entry_jumppad:
0x0: {  	(pc) =	sbr.rel $0x88, $3  }
0x1: {  	(tag) =	ssettag $0x0;
	lr =	simm.s32 $0x1  }
0x2: {  	[smem:$0x3F92] =	sst lr;
	_ =	strace $0xD0000000  }
0x3: {  	_ = 	snop  }
0x4: {  	_ = 	snop  }
0x5: {  	_ = 	snop  }
0x6: {  	_ = 	snop  }
0x7: {  	_ = 	snop  }
__scs_overlays_trampoline_lowered:
0x8: {  	[smem:$0x3FA1] =	sst s0  }
0x9: {  	[smem:$0x3FA2] =	sst s1  }
0xa: {  	[smem:$0x3FA3] =	sst s2  }
0xb: {  	[smem:$0x3FA4] =	sst s3  }
0xc: {  	[smem:$0x3FA5] =	sst s4  }
0xd: {  	[smem:$0x3FA6] =	sst s5  }
0xe: {  	[smem:$0x3FA7] =	sst s6  }
0xf: {  	[smem:$0x3FA8] =	sst s7  }
0x10: {  	[smem:$0x3FA9] =	sst s8  }
0x11: {  	[smem:$0x3FAA] =	sst s9;
	s0 =	simm.s32 @!p0 $0x0  }
0x12: {  	s1 =	sld [smem:$0x3F90];
	s0 =	simm.s32 @p0 $0x1  }
0x13: {  	[smem:$0x3FAB] =	sst s0;
	s0 =	simm.s32 @!p1 $0x0  }
0x14: {  	s2 =	sld [smem:$0x3F8F];
	s0 =	simm.s32 @p1 $0x1  }
0x15: {  	[smem:$0x3FAC] =	sst s0;
	s0 =	simm.s32 @!p2 $0x0  }
0x16: {  	s3 =	sld [smem:$0x3FDB];
	s0 =	simm.s32 @p2 $0x1  }
0x17: {  	s4 =	simm.s32 $0x1BF5;
	[smem:$0x3FAE] =	sst s0  }
0x18: {  	s0 =	sld [smem:$0x3F91];
	_ =	swait.ge [sflag:s4], $0x0  }
0x19: {  	s7 =	sld [smem:$0x3F92]  }
0x1a: {  	s8 =	sadd.s32 $0xFFFFE003, lr  }
0x1b: {  	s9 =	sadd.s32 $0xFFFFFEF7, lr;
	s5 =	simm.s32 $0xFFFFFFFF;
	p2 =	slt.u32 s8, $0xFFFFF086  }
0x1c: {  	p1 =	slt.u32 s9, $0xF7A;
	s5 =	simm.s32 @!p2 $0x0  }
0x1d: {  	s5 =	simm.s32 @p1 $0x1;
	p0 =	seq.s32 s7, s2  }
0x1e: {  	s7 =	smul.u32 @!p0 $0xF7A, s2;
	p2 =	seq.s32 @!p0 s5, $0x0  }
0x1f: {  	s9 =	smul.u32 $0xF7A, s1;
	s8 =	simm.s32 @!p0 $0x1BF5;
	p2 =	por !p2, p0  }
0x20: {  	[sflag:s8] =	ssyncset.s32 @!p0 $0xFFFFF086;
	s6 =	sadd.s32 @!p0 s3, s7;
	s7 =	simm.s32 @!p0 $0x108  }
0x21: {  	s3 =	sadd.s32 s3, s9;
	s6 =	sadd.s32 @!p0 $0x88, s6;
	s7 =	simm.s32 @p2 $0x1082  }
0x22: {  	[simem:s7], [sflag:s8] =	dma.local @!p0 [hbm:s6], $0xF7A  }
0x23: {  	s9 =	sor.u32 $0xD0000000, s2;
	s6 =	simm.s32 $0x108;
	_ =	swait.ge @!p0 [sflag:s8], $0x0  }
0x24: {  	s3 =	sadd.s32 $0x88, s3;
	s6 =	simm.s32 @!p1 $0x1082;
	[sflag:s4] =	ssyncset.s32 $0xFFFFF086  }
0x25: {  	[simem:s6], [sflag:s4] =	dma.local [hbm:s3], $0xF7A  }
0x26: {  	[smem:$0x3F92] =	sst s1;
	(tag) =	ssettag s2;
	_ =	strace s9  }
0x27: {  	s1 =	sld [smem:$0x3FA2]  }
0x28: {  	s2 =	sld [smem:$0x3FA3]  }
0x29: {  	s4 =	sld [smem:$0x3FA5]  }
0x2a: {  	p0 =	seq.s32 s5, $0x0;
	s5 =	sld [smem:$0x3FA6]  }
0x2b: {  	s6 =	sld [smem:$0x3FA7]  }
0x2c: {  	s7 =	sld [smem:$0x3FA8]  }
0x2d: {  	s3 =	simm.s32 $0x108;
	s8 =	sld [smem:$0x3FA9]  }
0x2e: {  	s3 =	simm.s32 @!p0 $0x1082;
	s9 =	sld [smem:$0x3FAA]  }
0x2f: {  	lr =	sadd.s32 s0, s3;
	s0 =	sld [smem:$0x3FA1]  }
0x30: {  	s3 =	sld [smem:$0x3FA4]  }
0x31: {  	[smem:$0x3FAD] =	sst s10  }
0x32: {  	s10 =	sld [smem:$0x3FAB];
	_ =	sdelay $0x3  }
0x33: {  	p0 =	seq.s32 s10, $0x1;
	s10 =	sld [smem:$0x3FAD];
	_ =	sdelay $0x3  }
0x34: {  	[smem:$0x3FAD] =	sst s10  }
0x35: {  	s10 =	sld [smem:$0x3FAC];
	_ =	sdelay $0x3  }
0x36: {  	p1 =	seq.s32 s10, $0x1;
	s10 =	sld [smem:$0x3FAD];
	_ =	sdelay $0x3  }
0x37: {  	[smem:$0x3FAD] =	sst s10  }
0x38: {  	s10 =	sld [smem:$0x3FAE]  }
0x39: {  	_ = 	snop;
	(pc) =	sbr.ind lr, $3  }
0x3a: {  	_ = 	snop  }
0x3b: {  	_ = 	snop  }
0x3c: {  	p2 =	seq.s32 s10, $0x1;
	s10 =	sld [smem:$0x3FAD]  }
0x3d: {  	_ =	shalt  }
0x3e: {  	_ =	shalt  }
0x3f: {  	_ =	shalt  }
0x40: {  	_ =	shalt  }
0x41: {  	_ =	shalt  }
0x42: {  	_ =	shalt  }
0x43: {  	_ =	shalt  }
0x44: {  	_ =	shalt  }
0x45: {  	_ =	shalt  }
0x46: {  	_ =	shalt  }
0x47: {  	_ =	shalt  }
0x48: {  	_ =	shalt  }
0x49: {  	_ =	shalt  }
0x4a: {  	_ =	shalt  }
0x4b: {  	_ =	shalt  }
0x4c: {  	_ =	shalt  }
0x4d: {  	_ =	shalt  }
0x4e: {  	_ =	shalt  }
0x4f: {  	_ =	shalt  }
0x50: {  	_ =	shalt  }
0x51: {  	_ =	shalt  }
0x52: {  	_ =	shalt  }
0x53: {  	_ =	shalt  }
0x54: {  	_ =	shalt  }
0x55: {  	_ =	shalt  }
0x56: {  	_ =	shalt  }
0x57: {  	_ =	shalt  }
0x58: {  	_ =	shalt  }
0x59: {  	_ =	shalt  }
0x5a: {  	_ =	shalt  }
0x5b: {  	_ =	shalt  }
0x5c: {  	_ =	shalt  }
0x5d: {  	_ =	shalt  }
0x5e: {  	_ =	shalt  }
0x5f: {  	_ =	shalt  }
0x60: {  	_ =	shalt  }
0x61: {  	_ =	shalt  }
0x62: {  	_ =	shalt  }
0x63: {  	_ =	shalt  }
0x64: {  	_ =	shalt  }
0x65: {  	_ =	shalt  }
0x66: {  	_ =	shalt  }
0x67: {  	_ =	shalt  }
0x68: {  	_ =	shalt  }
0x69: {  	_ =	shalt  }
0x6a: {  	_ =	shalt  }
0x6b: {  	_ =	shalt  }
0x6c: {  	_ =	shalt  }
0x6d: {  	_ =	shalt  }
0x6e: {  	_ =	shalt  }
0x6f: {  	_ =	shalt  }
0x70: {  	_ =	shalt  }
0x71: {  	_ =	shalt  }
0x72: {  	_ =	shalt  }
0x73: {  	_ =	shalt  }
0x74: {  	_ =	shalt  }
0x75: {  	_ =	shalt  }
0x76: {  	_ =	shalt  }
0x77: {  	_ =	shalt  }
0x78: {  	_ =	shalt  }
0x79: {  	_ =	shalt  }
0x7a: {  	_ =	shalt  }
0x7b: {  	_ =	shalt  }
0x7c: {  	_ =	shalt  }
0x7d: {  	_ =	shalt  }
0x7e: {  	_ =	shalt  }
0x7f: {  	_ =	shalt  }
0x80: {  	_ =	shalt  }
0x81: {  	_ =	shalt  }
0x82: {  	_ =	shalt  }
0x83: {  	_ =	shalt  }
0x84: {  	_ =	shalt  }
0x85: {  	_ =	shalt  }
0x86: {  	_ =	shalt  }
0x87: {  	_ =	shalt  }
.Lfunc_end0:
.L_simem_size_0:
called_computation_lowered:
.L_overlay_start_0:
0x88: {  	s2 =	sld [smem:$0x3FD9]  }
0x89: {  	s3 =	sld [smem:$0x3FFE];
	_ =	sdelay $0x1  }
0x8a: {  	s1 =	srdreg.scid  }
0x8b: {  	s0 =	sand.u32 $0x1, s1  }
0x8c: {  	s13 =	sshll.u32 s0, $0xA;
	s2 =	sadd.s32 s3, s2  }
0x8d: {  	s2 =	sadd.s32 s2, s13  }
0x8e: {  	[smem:$0x3FB9] =	sst s2  }
0x8f: {  	_ = 	snop  }
0x90: {  	s2 =	sld [smem:$0x3FD0];
	_ =	sdelay $0x2  }
0x91: {  	s6 =	simm.s32 $0xA;
	s14 =	sld [smem:$0x3FC9]  }
0x92: {  	s7 =	simm.s32 $0x10;
	s4 =	sld [smem:$0x3FC8];
	s5 =	sadd.s32 $0x1, s2  }
0x93: {  	[smem:s7], [sflag:s6] =	dma.local [hbm:s5], $0x1  }
0x94: {  	_ =	swait.eq [sflag:s6], $0x1  }
0x95: {  	[sflag:s6] =	ssyncset.done $0x0  }
0x96: {  	[sflag:s6] =	ssyncadd.s32 $0xFFFFFFFF  }
0x97: {  	s15 =	sld [smem:$0x12]  }
0x98: {  	[smem:s7], [sflag:s6] =	dma.local [hbm:s2], $0x1  }
0x99: {  	_ =	swait.eq [sflag:s6], $0x1  }
0x9a: {  	s16 =	sld [smem:$0x10]  }
0x9b: {  	s17 =	sld [smem:$0x11];
	[sflag:s6] =	ssyncset.done $0x0  }
0x9c: {  	s8 =	sld [smem:$0x16];
	[sflag:s6] =	ssyncadd.s32 $0xFFFFFFFF  }
0x9d: {  	s18 =	sld [smem:$0x17];
	(tm) =	ssettm $0x1  }
0x9e: {  	s9 =	sld [smem:$0x3FFB];
	_ =	sdelay $0x3  }
0x9f: {  	_ =	strace s9  }
0xa0: {  	s9 =	sld [smem:$0x3FFC];
	_ =	sdelay $0x3  }
0xa1: {  	_ =	strace s9  }
0xa2: {  	s9 =	sld [smem:$0x3FFD];
	_ =	sdelay $0x3  }
0xa3: {  	_ =	strace s9  }
0xa4: {  	_ =	strace $0x8FFFFFFF  }
0xa5: {  	s19 =	sld [smem:$0x3FDB];
	_ =	sdelay $0x1  }
0xa6: {  	s10 =	simm.s32 $_scs_section_size  }
0xa7: {  	s11 =	simm.s32 $_size__tile_overlayer_lowered;
	s12 =	simm.s32 $_tile_overlayer_lowered  }
0xa8: {  	s22 =	simm.s32 $0x1BFF;
	s21 =	sshll.u32 s12, $0x1;
	s9 =	sadd.s32 s10, s19  }
0xa9: {  	s20 =	sshll.u32 s11, $0x1;
	s13 =	simm.s32 $0x0;
	s11 =	sadd.s32 s21, s9  }
0xaa: {  	[timem:s13], [sflag:s22] =	dma.local [hbm:s11], s20  }
0xab: {  	_ =	swait.ge [sflag:s22], s20  }
0xac: {  	s10 =	ssub.s32 $0x0, s20;
	[sflag:s22] =	ssyncset.done $0x0  }
0xad: {  	[sflag:s22] =	ssyncadd.s32 s10;
	_ =	sdelay $0x1  }
0xae: {  	s23 =	simm.s32 $0x1B8B  }
0xaf: {  	_ =	swait.ge [sflag:s23], $0x1  }
0xb0: {  	[sflag:s23] =	ssyncset.done $0x0  }
0xb1: {  	s25 =	simm.s32 $0x1B8E;
	s24 =	sld [smem:$0x3FFE];
	[sflag:s23] =	ssyncadd.s32 $0xFFFFFFFF  }
0xb2: {  	s26 =	simm.s32 $execute0_lowered;
	[smem:$0x3FD2] =	sst s25  }
0xb3: {  	s11 =	sshll.u32 s26, $0x1;
	_ =	strace $0x80000046;
	[dreg:$0x1] =	wrdreg $0xFFFFFFFF  }
0xb4: {  	s28 =	simm.s32 $_size_execute0_lowered;
	s9 =	sadd.s32 s9, s11;
	[dreg:$0x0] =	wrdreg $0x0  }
0xb5: {  	s11 =	sshll.u32 s28, $0x1;
	[dreg:$0x2] =	wrdreg s9  }
0xb6: {  	[dreg:$0x3] =	wrdreg s11  }
0xb7: {  	[dreg:$0x4] =	wrdreg $0xC0  }
0xb8: {  	_ =	task [dreg:s13], $0x5FFFF  }
0xb9: {  	[dreg:$0x1] =	wrdreg $0xFFFFFFFF  }
0xba: {  	[dreg:$0x0] =	wrdreg $0x60  }
0xbb: {  	[dreg:$0x2] =	wrdreg s14  }
0xbc: {  	[dreg:$0x3] =	wrdreg s4  }
0xbd: {  	[dreg:$0x4] =	wrdreg s24  }
0xbe: {  	[dreg:$0x5] =	wrdreg s15  }
0xbf: {  	[dreg:$0x6] =	wrdreg s17  }
0xc0: {  	[dreg:$0x7] =	wrdreg s16  }
0xc1: {  	[dreg:$0x8] =	wrdreg s18  }
0xc2: {  	[dreg:$0x9] =	wrdreg s8  }
0xc3: {  	[dreg:$0xa] =	wrdreg $0x9  }
0xc4: {  	_ =	task.clear_ibuf [dreg:s13], $0xBFFFF;
	_ =	strace $0x90000046  }
0xc5: {  	s29 =	simm.s32 $0x9;
	_ =	strace $0x80000048  }
0xc6: {  	_ =	swait.ge [sflag:s29], $0x1  }
0xc7: {  	[sflag:s29] =	ssyncadd.s32 $0xFFFFFFFF  }
0xc8: {  	_ =	strace $0x90000048  }
0xc9: {  	_ =	sfence  }
0xca: {  	s30 =	sld [smem:$0x0];
	_ =	sdelay $0x2  }
0xcb: {  	s31 =	sshll.u32 s1, $0xD;
	s1 =	sshrl.u32 s1, $0x2  }
0xcc: {  	s3 =	sand.u32 $0x4000, s31;
	s1 =	sadd.s32 s1, s30  }
0xcd: {  	s0 =	sor.u32 s3, s0;
	s1 =	sshll.u32 s1, $0x11  }
0xce: {  	s0 =	sor.u32 s1, s0  }
0xcf: {  	s0 =	sadd.s32 $0x8F2B, s0  }
0xd0: {  	[sflag:s0] =	ssyncadd.remote.s32 $0x1  }
0xd1: {  	_ =	sfence.sel $0xFFFF  }
0xd2: {  	[dreg:$0x0] =	wrdreg $0xFFFFFFFF;
	(pc) =	sbr.abs _section_cstart, $3  }
0xd3: {  	[dreg:$0x1] =	wrdreg $0xFFFFFFFF  }
0xd4: {  	_ =	task.clear_ibuf [dreg:s13], $0x2FFFF;
	_ =	strace $0x9FFFFFFF  }
0xd5: {  	(tm) =	ssettm $0x7FFFFFFF  }
tec
execute0_lowered:
.L_overlay_start_1:
0x0: {  	(tag) =	ssettag $0x1  }
0x1: {  	s4 =	rddreg [dreg:$0x0]  }
0x2: {  	s6 =	rddreg [dreg:$0x1]  }
0x3: {  	s13 =	rddreg [dreg:$0x2]  }
0x4: {  	s1 =	rddreg [dreg:$0x3]  }
0x5: {  	s19 =	rddreg [dreg:$0x4]  }
0x6: {  	s20 =	rddreg [dreg:$0x5];
	s2 =	srdreg.scid  }
0x7: {  	s17 =	rddreg [dreg:$0x6];
	s0 =	stileid.u32;
	s21 =	sand.u32 $0x1, s2  }
0x8: {  	s18 =	rddreg [dreg:$0x7];
	s5 =	sshll.u32 s0, $0x8;
	s7 =	sshll.u32 s21, $0x7  }
0x9: {  	s3 =	simm.s32 $0x0;
	s2 =	rddreg [dreg:$0x8];
	s22 =	sor.u32 s7, s5  }
0xa: {  	[smem:$0x7FF] =	sst s3;
	s23 =	sshrl.u32 s22, $0x3  }
0xb: {  	_ =	strace $0x80000047;
	s5 =	sadd.s32 s4, s23;
	s4 =	simm.s32 $0x3  }
0xc: {  	[tilespmem:s3], [sflag:$0x3] =	stream.linear.gather [hbm4b:s5+s3], $0x80, $0x38;
	[tilespmem:$0x4200] =	vst v63  }
0xd: {  	_ =	swait.ge [sflag:s4], $0x80  }
0xe: {  	[sflag:s4] =	ssyncset.done $0x0  }
0xf: {  	s7 =	simm.s32 $0x80;
	s6 =	sadd.s32 s6, s23;
	[sflag:s4] =	ssyncadd.s32 $0xFFFFFF80  }
0x10: {  	[tilespmem:s7], [sflag:$0x3] =	stream.linear.gather [hbm4b:s6+s3], $0x80, $0x38;
	[tilespmem:$0x4200] =	vst v63  }
0x11: {  	_ =	swait.ge [sflag:s4], $0x80  }
0x12: {  	[sflag:s4] =	ssyncset.done $0x0  }
0x13: {  	s8 =	simm.s32 $0x4100;
	[sflag:s4] =	ssyncadd.s32 $0xFFFFFF80  }
0x14: {  	[tilespmem:s8], [sflag:$0x2] =	stream.indirect.gather [hbm4b:s1+s7], $0x1, s3, s7, $0xb8;
	[tilespmem:$0x4200] =	vst v63  }
0x15: {  	s10 =	simm.s32 $0x4180;
	s9 =	sadd.s32 $0x189E00, s13  }
0x16: {  	[tilespmem:s10], [sflag:$0x2] =	stream.indirect.gather [hbm4b:s9+s7], $0x1, s7, s7, $0xb8;
	[tilespmem:$0x4200] =	vst v63  }
0x17: {  	s12 =	simm.s32 $0x100;
	s11 =	sadd.s32 $0xC6800, s13  }
0x18: {  	[tilespmem:s12], [sflag:$0x1] =	stream.indirect.gather [hbm4b:s11+s7], $0x40, s3, s7, $0xb8;
	[tilespmem:$0x4200] =	vst v63  }
0x19: {  	s14 =	simm.s32 $0x2100;
	s15 =	simm.s32 $0x2;
	s13 =	sadd.s32 $0x3200, s13  }
0x1a: {  	[tilespmem:s14], [sflag:$0x1] =	stream.indirect.gather [hbm4b:s13+s7], $0x40, s7, s7, $0xb8;
	[tilespmem:$0x4200] =	vst v63  }
0x1b: {  	_ =	swait.ge [sflag:s15], $0x80  }
0x1c: {  	[sflag:s15] =	ssyncset.done $0x0  }
0x1d: {  	[sflag:s15] =	ssyncadd.s32 $0xFFFFFF80  }
0x1e: {  	_ =	swait.ge [sflag:s15], $0x80  }
0x1f: {  	[sflag:s15] =	ssyncset.done $0x0  }
0x20: {  	s16 =	simm.s32 $0x1;
	[sflag:s15] =	ssyncadd.s32 $0xFFFFFF80  }
0x21: {  	_ =	swait.ge [sflag:s16], $0x2000  }
0x22: {  	[sflag:s16] =	ssyncset.done $0x0  }
0x23: {  	[sflag:s16] =	ssyncadd.s32 $0xFFFFE000  }
0x24: {  	_ =	swait.ge [sflag:s16], $0x2000  }
0x25: {  	[sflag:s16] =	ssyncset.done $0x0  }
0x26: {  	s17 =	sadd.s32 s17, s23;
	[sflag:s16] =	ssyncadd.s32 $0xFFFFE000  }
0x27: {  	[hbm4b:s17+s3] =	stream.linear.scatter [tilespmem:s8], [sflag:$0x3], $0x80, $0x38;
	[tilespmem:$0x4200] =	vst v63  }
0x28: {  	_ =	swait.ge [sflag:s4], $0x80  }
0x29: {  	[sflag:s4] =	ssyncset.done $0x0  }
0x2a: {  	s21 =	ssub.s32 $0x2, s21;
	s18 =	sadd.s32 s18, s23;
	[sflag:s4] =	ssyncadd.s32 $0xFFFFFF80  }
0x2b: {  	[hbm4b:s18+s3] =	stream.linear.scatter [tilespmem:s10], [sflag:$0x3], $0x80, $0x38;
	[tilespmem:$0x4200] =	vst v63  }
0x2c: {  	s31 =	sshrl.u32 s21, $0x1;
	_ =	swait.ge [sflag:s4], $0x80  }
0x2d: {  	s22 =	sshll.u32 s22, $0x3;
	s21 =	ssub.s32 s21, s31;
	[sflag:s4] =	ssyncset.done $0x0  }
0x2e: {  	s19 =	sadd.s32 s19, s22;
	s21 =	smax.u32 s21, $0x1;
	[sflag:s4] =	ssyncadd.s32 $0xFFFFFF80  }
0x2f: {  	[hbm4b:s19+s3] =	stream.linear.scatter [tilespmem:s12], [sflag:$0x3], $0x2000, $0x38;
	[tilespmem:$0x4200] =	vst v63  }
0x30: {  	p0 =	sne.s32 s21, $0x1;
	_ =	swait.ge [sflag:s4], $0x2000  }
.Ltmp0:
0x31: {  	[sflag:s4] =	ssyncset.done $0x0;
	(pc) =	sbr.rel @!p0 .LBB2_2-.Ltmp0, $4  }
0x32: {  	s20 =	sadd.s32 s20, s22;
	[sflag:s4] =	ssyncadd.s32 $0xFFFFE000  }
0x33: {  	[hbm4b:s20+s3] =	stream.linear.scatter [tilespmem:s14], [sflag:$0x3], $0x2000, $0x38;
	[tilespmem:$0x4200] =	vst v63  }
0x34: {  	_ =	swait.ge [sflag:s4], $0x2000  }
0x35: {  	s21 =	sadd.s32 $0xFFFFFFFF, s21;
	[sflag:s4] =	ssyncset.done $0x0  }
.LBB2_1:
0x36: {  	p0 =	sne.s32 s21, $0x1;
	s21 =	sadd.s32 $0xFFFFFFFF, s21;
	[sflag:s4] =	ssyncadd.s32 $0xFFFFE000  }
0x37: {  	[tilespmem:s3], [sflag:$0x3] =	stream.linear.gather [hbm4b:s5+s3], $0x80, $0x38;
	[tilespmem:$0x4200] =	vst v63  }
0x38: {  	_ =	swait.ge [sflag:s4], $0x80  }
0x39: {  	[sflag:s4] =	ssyncset.done $0x0  }
0x3a: {  	[sflag:s4] =	ssyncadd.s32 $0xFFFFFF80  }
0x3b: {  	[tilespmem:s7], [sflag:$0x3] =	stream.linear.gather [hbm4b:s6+s3], $0x80, $0x38;
	[tilespmem:$0x4200] =	vst v63  }
0x3c: {  	_ =	swait.ge [sflag:s4], $0x80  }
0x3d: {  	[sflag:s4] =	ssyncset.done $0x0  }
0x3e: {  	[sflag:s4] =	ssyncadd.s32 $0xFFFFFF80  }
0x3f: {  	[tilespmem:s8], [sflag:$0x2] =	stream.indirect.gather [hbm4b:s1+s7], $0x1, s3, s7, $0xb8;
	[tilespmem:$0x4200] =	vst v63  }
0x40: {  	_ = 	snop  }
0x41: {  	[tilespmem:s10], [sflag:$0x2] =	stream.indirect.gather [hbm4b:s9+s7], $0x1, s7, s7, $0xb8;
	[tilespmem:$0x4200] =	vst v63  }
0x42: {  	_ = 	snop  }
0x43: {  	[tilespmem:s12], [sflag:$0x1] =	stream.indirect.gather [hbm4b:s11+s7], $0x40, s3, s7, $0xb8;
	[tilespmem:$0x4200] =	vst v63  }
0x44: {  	_ = 	snop  }
0x45: {  	[tilespmem:s14], [sflag:$0x1] =	stream.indirect.gather [hbm4b:s13+s7], $0x40, s7, s7, $0xb8;
	[tilespmem:$0x4200] =	vst v63  }
0x46: {  	_ =	swait.ge [sflag:s15], $0x80  }
0x47: {  	[sflag:s15] =	ssyncset.done $0x0  }
0x48: {  	[sflag:s15] =	ssyncadd.s32 $0xFFFFFF80  }
0x49: {  	_ =	swait.ge [sflag:s15], $0x80  }
0x4a: {  	[sflag:s15] =	ssyncset.done $0x0  }
0x4b: {  	[sflag:s15] =	ssyncadd.s32 $0xFFFFFF80  }
0x4c: {  	_ =	swait.ge [sflag:s16], $0x2000  }
0x4d: {  	[sflag:s16] =	ssyncset.done $0x0  }
0x4e: {  	[sflag:s16] =	ssyncadd.s32 $0xFFFFE000  }
0x4f: {  	_ =	swait.ge [sflag:s16], $0x2000  }
0x50: {  	[sflag:s16] =	ssyncset.done $0x0  }
0x51: {  	[sflag:s16] =	ssyncadd.s32 $0xFFFFE000  }
0x52: {  	[hbm4b:s17+s3] =	stream.linear.scatter [tilespmem:s8], [sflag:$0x3], $0x80, $0x38;
	[tilespmem:$0x4200] =	vst v63  }
0x53: {  	_ =	swait.ge [sflag:s4], $0x80  }
0x54: {  	[sflag:s4] =	ssyncset.done $0x0  }
0x55: {  	[sflag:s4] =	ssyncadd.s32 $0xFFFFFF80  }
0x56: {  	[hbm4b:s18+s3] =	stream.linear.scatter [tilespmem:s10], [sflag:$0x3], $0x80, $0x38;
	[tilespmem:$0x4200] =	vst v63  }
0x57: {  	_ =	swait.ge [sflag:s4], $0x80  }
0x58: {  	[sflag:s4] =	ssyncset.done $0x0  }
0x59: {  	[sflag:s4] =	ssyncadd.s32 $0xFFFFFF80  }
0x5a: {  	[hbm4b:s19+s3] =	stream.linear.scatter [tilespmem:s12], [sflag:$0x3], $0x2000, $0x38;
	[tilespmem:$0x4200] =	vst v63  }
0x5b: {  	_ =	swait.ge [sflag:s4], $0x2000  }
.Ltmp1:
0x5c: {  	[sflag:s4] =	ssyncset.done $0x0;
	(pc) =	sbr.rel @p0 .LBB2_1-.Ltmp1, $4  }
0x5d: {  	[sflag:s4] =	ssyncadd.s32 $0xFFFFE000  }
0x5e: {  	[hbm4b:s20+s3] =	stream.linear.scatter [tilespmem:s14], [sflag:$0x3], $0x2000, $0x38;
	[tilespmem:$0x4200] =	vst v63  }
0x5f: {  	_ =	swait.ge [sflag:s4], $0x2000  }
0x60: {  	[sflag:s4] =	ssyncset.done $0x0  }
.LBB2_2:
0x61: {  	[sflag:s4] =	ssyncadd.s32 $0xFFFFE000  }
0x62: {  	_ =	sfence.sel $0x180000  }
0x63: {  	[bflag:$0x0] =	sbarrier.arrive $0xFFFF  }
0x64: {  	p0 =	sne.s32 s0, $0x0;
	_ =	strace $0x90000047  }
0x65: {  	s0 =	sadd.s32 @!p0 $0x100000, s2;
	[bflag:$0x2] =	sbarrier.arrive $0xFFFF  }
0x66: {  	[sflag:s0] =	ssyncadd.tile.s32 @!p0 $0x1;
	_ =	shalt  }
.Lfunc_end2:
_tile_overlayer_lowered:
.L_overlay_start_2:
0x67: {  	(tag) =	ssettag $0x2  }
0x68: {  	s0 =	rddreg [dreg:$0x0];
	s2 =	stileid.u32  }
0x69: {  	s1 =	rddreg [dreg:$0x1];
	p0 =	sne.s32 s2, $0x0  }
0x6a: {  	s3 =	rddreg [dreg:$0x2];
	[bflag:$0x3] =	sbarrier.arrive $0xFFFF;
	s2 =	simm.s32 @!p0 $0x1C03  }
0x6b: {  	[timem:s3], [sflag:s2] =	dma.local @!p0 [hbm:s0], s1  }
0x6c: {  	s0 =	simm.s32 @!p0 $0x3  }
0x6d: {  	_ =	swait.ge @!p0 [sflag:s0], s1  }
0x6e: {  	s1 =	ssub.s32 @!p0 $0x0, s1;
	[sflag:s0] =	ssyncset.done @!p0 $0x0  }
0x6f: {  	[sflag:s0] =	ssyncadd.s32 @!p0 s1  }
0x70: {  	[bflag:$0x3] =	sbarrier.arrive $0xFFFF  }
0x71: {  	_ =	shalt  }

</sc_bundles>
